<compile_context>
chip_gen: v7x
topology: tpu7x:2x2x1
jax: 0.10.2.dev20260603
libtpu: 0.0.44.dev20260713+nightly
codegen_flags: <defaults>
</compile_context>

<pallas_src>
import jax
import jax.numpy as jnp
from jax import lax
from jax.experimental import pallas as pl
from jax.experimental.pallas import tpu as pltpu
from jax.experimental.pallas import tpu_sc as plsc

N = 10000
NP = 10240
E = 160000
D = 256
H = 128
TW = 144
SLOPE = 0.1
CHUNK = 80
NSUPER = 5
SCHUNK = 25
NSUB = 16
ROWS_PER_SUB = NP // NSUB
DIVROWS = 16
EPT = E // 32
WGROUPS = -(-EPT // 16)

_PREP_BLOCK = 1024

_SC_PARAMS = pltpu.CompilerParams(
    needs_layout_passes=False, use_tc_tiling_on_sc=False)


def _prep_body(x_ref, w_ref, b_ref, a_ref, t0_ref, t1_ref, i0_ref, i1_ref,
               s1_ref, s2_ref):
    emb = jnp.dot(x_ref[...], w_ref[...], preferred_element_type=jnp.float32)
    emb = emb + b_ref[...]
    s12 = jnp.dot(emb, a_ref[...], preferred_element_type=jnp.float32)
    s1 = s12[:, 0:1]
    s2 = s12[:, 1:2]
    ssum = s1 + s2
    wl = jnp.exp(jnp.maximum(ssum, ssum * SLOPE))
    col = lax.broadcasted_iota(jnp.int32, (_PREP_BLOCK, TW), 1)
    ones_col = jnp.where(col == H, jnp.float32(1.0), jnp.float32(0.0))
    t0 = jnp.pad(emb[:, :H], ((0, 0), (0, TW - H))) + ones_col
    t1 = jnp.pad(emb[:, H:], ((0, 0), (0, TW - H))) + ones_col
    t0_ref[...] = t0
    t1_ref[...] = t1
    i0_ref[...] = wl * t0
    i1_ref[...] = wl * t1
    s1_ref[...] = s1
    s2_ref[...] = s2


def _prep(x, w, b2, amat):
    nblk = NP // _PREP_BLOCK
    fullspec = pl.BlockSpec((_PREP_BLOCK, TW), lambda i: (i, 0))
    sspec = pl.BlockSpec((_PREP_BLOCK, 1), lambda i: (i, 0))
    return pl.pallas_call(
        _prep_body,
        grid=(nblk,),
        in_specs=[
            pl.BlockSpec((_PREP_BLOCK, D), lambda i: (i, 0)),
            pl.BlockSpec((D, D), lambda i: (0, 0)),
            pl.BlockSpec((1, D), lambda i: (0, 0)),
            pl.BlockSpec((D, 128), lambda i: (0, 0)),
        ],
        out_specs=[fullspec, fullspec, fullspec, fullspec, sspec, sspec],
        out_shape=[
            jax.ShapeDtypeStruct((NP, TW), jnp.float32),
            jax.ShapeDtypeStruct((NP, TW), jnp.float32),
            jax.ShapeDtypeStruct((NP, TW), jnp.float32),
            jax.ShapeDtypeStruct((NP, TW), jnp.float32),
            jax.ShapeDtypeStruct((NP, 1), jnp.float32),
            jax.ShapeDtypeStruct((NP, 1), jnp.float32),
        ],
    )(x, w, b2, amat)


def _wpre_body(s1h, s2h, src1, dst1, wout, s1v, s2v, ib, db, wb):
    c = lax.axis_index("c")
    s = lax.axis_index("s")
    base = (s * 2 + c) * EPT
    pltpu.sync_copy(s1h, s1v)
    pltpu.sync_copy(s2h, s2v)
    pltpu.sync_copy(src1.at[pl.ds(base, EPT)], ib)
    pltpu.sync_copy(dst1.at[pl.ds(base, EPT)], db)

    @pl.loop(0, WGROUPS)
    def _(g):
        off = jnp.minimum(g * 16, EPT - 16)
        sv = ib[pl.ds(off, 16)]
        dv = db[pl.ds(off, 16)]
        lg = plsc.load_gather(s1v, [sv]) + plsc.load_gather(s2v, [dv])
        wb[pl.ds(off, 16)] = jnp.exp(jnp.maximum(lg, lg * SLOPE))

    pltpu.sync_copy(wb, wout.at[pl.ds(base, EPT)])


@jax.jit
def _wpre(s1, s2, src1, dst1):
    mesh = plsc.VectorSubcoreMesh(core_axis_name="c", subcore_axis_name="s")
    return pl.kernel(
        _wpre_body,
        out_type=jax.ShapeDtypeStruct((E,), jnp.float32),
        mesh=mesh,
        compiler_params=_SC_PARAMS,
        scratch_types=[
            pltpu.VMEM((NP,), jnp.float32),
            pltpu.VMEM((NP,), jnp.float32),
            pltpu.VMEM((EPT,), jnp.int32),
            pltpu.VMEM((EPT,), jnp.int32),
            pltpu.VMEM((EPT,), jnp.float32),
        ],
    )(s1, s2, src1, dst1)


def _agg_body(t0, t1, i0, i1, wq, srch, dsth, out,
              acc, isb, idb, wsb, r0b, r1b, dbuf, dbuf1, obuf, obuf1,
              gs0, gs1, ss0, ss1, dsm0, dsm1, osm0, osm1):
    c = lax.axis_index("c")
    s = lax.axis_index("s")
    row0 = s * ROWS_PER_SUB

    @pl.when(c == 0)
    def _():
        pltpu.sync_copy(i0.at[pl.ds(row0, ROWS_PER_SUB)],
                        acc.at[pl.ds(row0, ROWS_PER_SUB)])

    @pl.when(c == 1)
    def _():
        pltpu.sync_copy(i1.at[pl.ds(row0, ROWS_PER_SUB)],
                        acc.at[pl.ds(row0, ROWS_PER_SUB)])

    plsc.subcore_barrier()

    def gather_start(i, buf, sem):
        @pl.when(c == 0)
        def _():
            pltpu.async_copy(t0.at[idb.at[i]], buf, sem)

        @pl.when(c == 1)
        def _():
            pltpu.async_copy(t1.at[idb.at[i]], buf, sem)

    def gather_wait(i, buf, sem):
        pltpu.make_async_copy(t0.at[idb.at[i]], buf, sem).wait()

    def scatter_start(i, buf, sem):
        pltpu.async_copy(buf, acc.at[isb.at[i]], sem, add=True)

    def scatter_wait(i, buf, sem):
        pltpu.make_async_copy(buf, acc.at[isb.at[i]], sem).wait()

    def compute(buf, i):
        iv = jnp.full((16,), i, jnp.int32)

        @pl.loop(0, CHUNK, unroll=4)
        def _(e):
            wb = plsc.load_gather(wsb, [iv, jnp.full((16,), e, jnp.int32)])
            for k in range(TW // 16):
                buf[e, pl.ds(k * 16, 16)] = buf[e, pl.ds(k * 16, 16)] * wb

    for o in range(NSUPER):
        pltpu.sync_copy(srch.at[s, o], isb)
        pltpu.sync_copy(dsth.at[s, o], idb)
        pltpu.sync_copy(wq.at[s, o], wsb)

        gather_start(0, r0b, gs0)

        @pl.loop(0, (SCHUNK - 1) // 2)
        def _(k):
            i = 2 * k
            gather_start(i + 1, r1b, gs1)
            gather_wait(i, r0b, gs0)
            compute(r0b, i)
            scatter_start(i, r0b, ss0)
            gather_wait(i + 1, r1b, gs1)
            compute(r1b, i + 1)
            scatter_wait(i, r0b, ss0)
            gather_start(i + 2, r0b, gs0)
            scatter_start(i + 1, r1b, ss1)
            scatter_wait(i + 1, r1b, ss1)

        gather_wait(SCHUNK - 1, r0b, gs0)
        compute(r0b, SCHUNK - 1)
        scatter_start(SCHUNK - 1, r0b, ss0)
        scatter_wait(SCHUNK - 1, r0b, ss0)

    plsc.subcore_barrier()

    hv = jnp.full((16,), H, jnp.int32)

    def din_start(a, d, sem):
        pltpu.async_copy(acc.at[pl.ds(row0 + a * DIVROWS, DIVROWS)], d, sem)

    def din_wait(a, d, sem):
        pltpu.make_async_copy(
            acc.at[pl.ds(row0 + a * DIVROWS, DIVROWS)], d, sem).wait()

    def dcompute(d, ob):
        @pl.loop(0, DIVROWS)
        def _(r):
            rv = jnp.full((16,), r, jnp.int32)
            inv = jnp.float32(1.0) / plsc.load_gather(d, [rv, hv])
            for k in range(H // 16):
                ob[r, pl.ds(k * 16, 16)] = d[r, pl.ds(k * 16, 16)] * inv

    def dout_start(a, ob, sem):
        @pl.when(row0 + a * DIVROWS < N)
        def _():
            pltpu.async_copy(
                ob, out.at[pl.ds(row0 + a * DIVROWS, DIVROWS),
                           pl.ds(c * H, H)], sem)

    def dout_wait(a, ob, sem):
        @pl.when(jnp.logical_and(a >= 0, row0 + a * DIVROWS < N))
        def _():
            pltpu.make_async_copy(
                ob, out.at[pl.ds(row0 + a * DIVROWS, DIVROWS),
                           pl.ds(c * H, H)], sem).wait()

    nslab = ROWS_PER_SUB // DIVROWS
    din_start(0, dbuf, dsm0)

    @pl.loop(0, nslab // 2)
    def _(k):
        a = 2 * k
        b = a + 1
        din_start(b, dbuf1, dsm1)
        din_wait(a, dbuf, dsm0)
        dout_wait(a - 2, obuf, osm0)
        dcompute(dbuf, obuf)
        dout_start(a, obuf, osm0)

        @pl.when(k < nslab // 2 - 1)
        def _():
            din_start(a + 2, dbuf, dsm0)

        din_wait(b, dbuf1, dsm1)
        dout_wait(b - 2, obuf1, osm1)
        dcompute(dbuf1, obuf1)
        dout_start(b, obuf1, osm1)

    dout_wait(nslab - 2, obuf, osm0)
    dout_wait(nslab - 1, obuf1, osm1)


@jax.jit
def _agg(t0, t1, i0, i1, wq, src, dst):
    mesh = plsc.VectorSubcoreMesh(core_axis_name="c", subcore_axis_name="s")
    return pl.kernel(
        _agg_body,
        out_type=jax.ShapeDtypeStruct((N, D), jnp.float32),
        mesh=mesh,
        compiler_params=_SC_PARAMS,
        scratch_types=[
            pltpu.VMEM_SHARED((NP, TW), jnp.float32),
            pltpu.VMEM((SCHUNK, CHUNK), jnp.int32),
            pltpu.VMEM((SCHUNK, CHUNK), jnp.int32),
            pltpu.VMEM((SCHUNK, CHUNK), jnp.float32),
            pltpu.VMEM((CHUNK, TW), jnp.float32),
            pltpu.VMEM((CHUNK, TW), jnp.float32),
            pltpu.VMEM((DIVROWS, TW), jnp.float32),
            pltpu.VMEM((DIVROWS, TW), jnp.float32),
            pltpu.VMEM((DIVROWS, H), jnp.float32),
            pltpu.VMEM((DIVROWS, H), jnp.float32),
        ] + [pltpu.SemaphoreType.DMA] * 8,
    )(t0, t1, i0, i1, wq, src, dst)


def kernel(x, edge_index, W, b, a):
    amat = jnp.zeros((D, 128), jnp.float32)
    amat = amat.at[:, 0].set(a[:D, 0]).at[:, 1].set(a[D:, 0])
    b2 = b.reshape(1, D)
    t0, t1, i0, i1, s1, s2 = _prep(x, W, b2, amat)
    w1 = _wpre(s1.reshape(NP), s2.reshape(NP), edge_index[0], edge_index[1])
    wq = w1.reshape(NSUB, NSUPER, SCHUNK, CHUNK)
    src = edge_index[0].reshape(NSUB, NSUPER, SCHUNK, CHUNK)
    dst = edge_index[1].reshape(NSUB, NSUPER, SCHUNK, CHUNK)
    return _agg(t0, t1, i0, i1, wq, src, dst)

# --- scband reference (transcript-rebuilt; emitter-appended) ---
"""Pipeline reference for scband-attention-aggregator-6657199309165 (READ-ONLY COPY).

The authoritative reference and input builder live on the scoring server;
editing this copy changes nothing except your own understanding.
"""

import jax, jax.numpy as jnp
import numpy as np

N_NODES = 10000
N_EDGES = 160000
IN_DIM = 256
OUT_DIM = 256
SLOPE = 0.1

def setup_inputs(seed: int = 0) -> dict:
    key = jax.random.key(seed)
    k1, k2, k3, k4 = jax.random.split(key, 4)
    x = jax.random.normal(k1, (N_NODES, IN_DIM), dtype=jnp.float32)
    edge_index = jax.random.randint(k2, (2, N_EDGES), 0, N_NODES, dtype=jnp.int32)
    # kaiming-ish scaling so exp(leaky_relu(...)) stays numerically sane
    W = jax.random.normal(k3, (IN_DIM, OUT_DIM), dtype=jnp.float32) * (1.0 / np.sqrt(IN_DIM))
    b = jnp.zeros((OUT_DIM,), dtype=jnp.float32)
    a = jax.random.normal(k4, (2 * OUT_DIM, 1), dtype=jnp.float32) * (1.0 / np.sqrt(2 * OUT_DIM))
    return {"x": x, "edge_index": edge_index, "W": W, "b": b, "a": a}


def reference(x, edge_index, W, b, a):
    # nodes == all graph nodes, so the unique_nodes_dict relabeling is the identity.
    N = x.shape[0]
    # out_linear_layer(features(n2))
    emb = x @ W + b
    # append self-loop edges (original_node_edge)
    loops = jnp.arange(N, dtype=edge_index.dtype)
    src = jnp.concatenate([edge_index[0], loops])
    dst = jnp.concatenate([edge_index[1], loops])
    # edge_h_2 = cat(emb[src], emb[dst]); attention logit via a
    edge_h_2 = jnp.concatenate([emb[src], emb[dst]], axis=1)
    logits = (edge_h_2 @ a)[:, 0]
    w = jnp.exp(jax.nn.leaky_relu(logits, negative_slope=SLOPE))
    # sparse matrix @ ones  -> row sums; sparse matrix @ emb -> weighted neighbor sum
    row_sum = jax.ops.segment_sum(w, src, num_segments=N)
    results = jax.ops.segment_sum(w[:, None] * emb[dst], src, num_segments=N)
    output_emb = results / row_sum[:, None]
    return output_emb

if __name__ == "__main__":
    import jax
    _d = setup_inputs()
    print(jax.jit(kernel)(*tuple(_d.values())))

</pallas_src>

<mosaic_0001>
#map = affine_map<(d0, d1) -> (0)>
module attributes {stable_mosaic.version = 14 : i64} {
  func.func @_wpre_body(%arg0: i32, %arg1: i32, %arg2: memref<10240xf32, #tpu.memory_space<hbm>>, %arg3: memref<10240xf32, #tpu.memory_space<hbm>>, %arg4: memref<160000xi32, #tpu.memory_space<hbm>>, %arg5: memref<160000xi32, #tpu.memory_space<hbm>>, %arg6: memref<160000xf32, #tpu.memory_space<hbm>>, %arg7: memref<10240xf32, #tpu.memory_space<vmem>>, %arg8: memref<10240xf32, #tpu.memory_space<vmem>>, %arg9: memref<5000xi32, #tpu.memory_space<vmem>>, %arg10: memref<5000xi32, #tpu.memory_space<vmem>>, %arg11: memref<5000xf32, #tpu.memory_space<vmem>>) attributes {dimension_semantics = [#tpu.dimension_semantics<core_parallel>, #tpu.dimension_semantics<subcore_parallel>], iteration_bounds = array<i64: 2, 16>, scalar_prefetch = 0 : i64, scratch_operands = 5 : i64, tpu.core_type = #tpu.core_type<sc_vector_subcore>, window_params = [{transform_indices = #map}, {transform_indices = #map}, {transform_indices = #map}, {transform_indices = #map}, {transform_indices = #map}]} {
    %mul3A = arith.constant 2 : i32
    %mul3A_0 = arith.muli %arg1, %mul3A : i32
    %add3A = arith.addi %mul3A_0, %arg0 : i32
    %mul3A_1 = arith.constant 5000 : i32
    %mul3A_2 = arith.muli %add3A, %mul3A_1 : i32
    "tpu.region"() ({
      %run_scoped3A = tpu.sem_alloc : memref<!tpu.dma_semaphore, #tpu.memory_space<semaphore_mem>>
      tpu.enqueue_dma source(%arg2 : memref<10240xf32, #tpu.memory_space<hbm>>) target(%arg7 : memref<10240xf32, #tpu.memory_space<vmem>>) target_semaphore(%run_scoped3A : memref<!tpu.dma_semaphore, #tpu.memory_space<semaphore_mem>>)
      tpu.wait_dma2 semaphore(%run_scoped3A : memref<!tpu.dma_semaphore, #tpu.memory_space<semaphore_mem>>) src(%arg2 : memref<10240xf32, #tpu.memory_space<hbm>>) dst(%arg7 : memref<10240xf32, #tpu.memory_space<vmem>>)
      tpu.yield
    }) : () -> ()
    "tpu.region"() ({
      %run_scoped3A = tpu.sem_alloc : memref<!tpu.dma_semaphore, #tpu.memory_space<semaphore_mem>>
      tpu.enqueue_dma source(%arg3 : memref<10240xf32, #tpu.memory_space<hbm>>) target(%arg8 : memref<10240xf32, #tpu.memory_space<vmem>>) target_semaphore(%run_scoped3A : memref<!tpu.dma_semaphore, #tpu.memory_space<semaphore_mem>>)
      tpu.wait_dma2 semaphore(%run_scoped3A : memref<!tpu.dma_semaphore, #tpu.memory_space<semaphore_mem>>) src(%arg3 : memref<10240xf32, #tpu.memory_space<hbm>>) dst(%arg8 : memref<10240xf32, #tpu.memory_space<vmem>>)
      tpu.yield
    }) : () -> ()
    "tpu.region"() ({
      %run_scoped3A = tpu.sem_alloc : memref<!tpu.dma_semaphore, #tpu.memory_space<semaphore_mem>>
      %dma_start3A = tpu.memref_slice %arg4[%mul3A_2] : memref<160000xi32, #tpu.memory_space<hbm>> -> memref<5000xi32, #tpu.memory_space<hbm>>
      %dma_start3A_7 = tpu.memref_slice %arg4[%mul3A_2] : memref<160000xi32, #tpu.memory_space<hbm>> -> memref<5000xi32, #tpu.memory_space<hbm>>
      tpu.enqueue_dma source(%dma_start3A_7 : memref<5000xi32, #tpu.memory_space<hbm>>) target(%arg9 : memref<5000xi32, #tpu.memory_space<vmem>>) target_semaphore(%run_scoped3A : memref<!tpu.dma_semaphore, #tpu.memory_space<semaphore_mem>>)
      %dma_wait3A = tpu.memref_slice %arg4[%mul3A_2] : memref<160000xi32, #tpu.memory_space<hbm>> -> memref<5000xi32, #tpu.memory_space<hbm>>
      %dma_wait3A_8 = tpu.memref_slice %arg4[%mul3A_2] : memref<160000xi32, #tpu.memory_space<hbm>> -> memref<5000xi32, #tpu.memory_space<hbm>>
      tpu.wait_dma2 semaphore(%run_scoped3A : memref<!tpu.dma_semaphore, #tpu.memory_space<semaphore_mem>>) src(%dma_wait3A_8 : memref<5000xi32, #tpu.memory_space<hbm>>) dst(%arg9 : memref<5000xi32, #tpu.memory_space<vmem>>)
      tpu.yield
    }) : () -> ()
    "tpu.region"() ({
      %run_scoped3A = tpu.sem_alloc : memref<!tpu.dma_semaphore, #tpu.memory_space<semaphore_mem>>
      %dma_start3A = tpu.memref_slice %arg5[%mul3A_2] : memref<160000xi32, #tpu.memory_space<hbm>> -> memref<5000xi32, #tpu.memory_space<hbm>>
      %dma_start3A_7 = tpu.memref_slice %arg5[%mul3A_2] : memref<160000xi32, #tpu.memory_space<hbm>> -> memref<5000xi32, #tpu.memory_space<hbm>>
      tpu.enqueue_dma source(%dma_start3A_7 : memref<5000xi32, #tpu.memory_space<hbm>>) target(%arg10 : memref<5000xi32, #tpu.memory_space<vmem>>) target_semaphore(%run_scoped3A : memref<!tpu.dma_semaphore, #tpu.memory_space<semaphore_mem>>)
      %dma_wait3A = tpu.memref_slice %arg5[%mul3A_2] : memref<160000xi32, #tpu.memory_space<hbm>> -> memref<5000xi32, #tpu.memory_space<hbm>>
      %dma_wait3A_8 = tpu.memref_slice %arg5[%mul3A_2] : memref<160000xi32, #tpu.memory_space<hbm>> -> memref<5000xi32, #tpu.memory_space<hbm>>
      tpu.wait_dma2 semaphore(%run_scoped3A : memref<!tpu.dma_semaphore, #tpu.memory_space<semaphore_mem>>) src(%dma_wait3A_8 : memref<5000xi32, #tpu.memory_space<hbm>>) dst(%arg10 : memref<5000xi32, #tpu.memory_space<vmem>>)
      tpu.yield
    }) : () -> ()
    %scan3A = arith.constant 0 : i32
    %scan3A_3 = arith.constant 313 : i32
    %scan3A_4 = arith.addi %scan3A, %scan3A_3 : i32
    %scan3A_5 = arith.constant 1 : i32
    scf.for %scan3A_7 = %scan3A to %scan3A_4 step %scan3A_5  : i32 {
      %mul3A_8 = arith.constant 1 : i32
      %mul3A_9 = arith.muli %scan3A_7, %mul3A_8 : i32
      %add3A_10 = arith.constant 0 : i32
      %add3A_11 = arith.addi %add3A_10, %mul3A_9 : i32
      %mul3A_12 = arith.constant 16 : i32
      %mul3A_13 = arith.muli %add3A_11, %mul3A_12 : i32
      %min3A = arith.constant 4984 : i32
      %min3A_14 = arith.minsi %mul3A_13, %min3A : i32
      %get3A = arith.index_cast %min3A_14 : i32 to index
      %get3A_15 = tpu.vector_load %arg9[%get3A] {strides = array<i32>} : memref<5000xi32, #tpu.memory_space<vmem>>, vector<16xi32>,
      %get3A_16 = arith.index_cast %min3A_14 : i32 to index
      %get3A_17 = tpu.vector_load %arg10[%get3A_16] {strides = array<i32>} : memref<5000xi32, #tpu.memory_space<vmem>>, vector<16xi32>,
      %gather3A = tpu.vector_load_idx %arg7[%get3A_15] : memref<10240xf32, #tpu.memory_space<vmem>>[vector<16xi32>], vector<16xf32>,
      %gather3A_18 = tpu.vector_load_idx %arg8[%get3A_17] : memref<10240xf32, #tpu.memory_space<vmem>>[vector<16xi32>], vector<16xf32>,
      %add3A_19 = arith.addf %gather3A, %gather3A_18 : vector<16xf32>
      %mul3A_20 = arith.constant 1.000000e-01 : f32
      %mul3A_21 = vector.broadcast %mul3A_20 : f32 to vector<16xf32>
      %mul3A_22 = arith.mulf %add3A_19, %mul3A_21 : vector<16xf32>
      %max3A = arith.maximumf %add3A_19, %mul3A_22 : vector<16xf32>
      %exp3A = math.exp %max3A : vector<16xf32>
      %swap3A = arith.index_cast %min3A_14 : i32 to index
      %swap3A_23 = tpu.vector_load %arg11[%swap3A] {strides = array<i32>} : memref<5000xf32, #tpu.memory_space<vmem>>, vector<16xf32>,
      tpu.vector_store %arg11[%swap3A], %exp3A {strides = array<i32>} : memref<5000xf32, #tpu.memory_space<vmem>>, vector<16xf32>,
    }
    %scan3A_6 = arith.constant 313 : i32
    "tpu.region"() ({
      %run_scoped3A = tpu.sem_alloc : memref<!tpu.dma_semaphore, #tpu.memory_space<semaphore_mem>>
      %dma_start3A = tpu.memref_slice %arg6[%mul3A_2] : memref<160000xf32, #tpu.memory_space<hbm>> -> memref<5000xf32, #tpu.memory_space<hbm>>
      %dma_start3A_7 = tpu.memref_slice %arg6[%mul3A_2] : memref<160000xf32, #tpu.memory_space<hbm>> -> memref<5000xf32, #tpu.memory_space<hbm>>
      tpu.enqueue_dma source(%arg11 : memref<5000xf32, #tpu.memory_space<vmem>>) target(%dma_start3A_7 : memref<5000xf32, #tpu.memory_space<hbm>>) target_semaphore(%run_scoped3A : memref<!tpu.dma_semaphore, #tpu.memory_space<semaphore_mem>>)
      %dma_wait3A = tpu.memref_slice %arg6[%mul3A_2] : memref<160000xf32, #tpu.memory_space<hbm>> -> memref<5000xf32, #tpu.memory_space<hbm>>
      %dma_wait3A_8 = tpu.memref_slice %arg6[%mul3A_2] : memref<160000xf32, #tpu.memory_space<hbm>> -> memref<5000xf32, #tpu.memory_space<hbm>>
      tpu.wait_dma2 semaphore(%run_scoped3A : memref<!tpu.dma_semaphore, #tpu.memory_space<semaphore_mem>>) src(%arg11 : memref<5000xf32, #tpu.memory_space<vmem>>) dst(%dma_wait3A_8 : memref<5000xf32, #tpu.memory_space<hbm>>)
      tpu.yield
    }) : () -> ()
    return
  }
}

</mosaic_0001>

<sc_bundles>
// kernel: _wpre.3.cloned.1.call-start
scs
__scs_entry_jumppad:
0x0: {  	(pc) =	sbr.rel $0x88, $3  }
0x1: {  	(tag) =	ssettag $0x0;
	lr =	simm.s32 $0x1  }
0x2: {  	[smem:$0x3F9D] =	sst lr;
	_ =	strace $0xD0000000  }
0x3: {  	_ = 	snop  }
0x4: {  	_ = 	snop  }
0x5: {  	_ = 	snop  }
0x6: {  	_ = 	snop  }
0x7: {  	_ = 	snop  }
__scs_overlays_trampoline_lowered:
0x8: {  	[smem:$0x3FAC] =	sst s0  }
0x9: {  	[smem:$0x3FAD] =	sst s1  }
0xa: {  	[smem:$0x3FAE] =	sst s2  }
0xb: {  	[smem:$0x3FAF] =	sst s3  }
0xc: {  	[smem:$0x3FB0] =	sst s4  }
0xd: {  	[smem:$0x3FB1] =	sst s5  }
0xe: {  	[smem:$0x3FB2] =	sst s6  }
0xf: {  	[smem:$0x3FB3] =	sst s7  }
0x10: {  	[smem:$0x3FB4] =	sst s8  }
0x11: {  	[smem:$0x3FB5] =	sst s9;
	s0 =	simm.s32 @!p0 $0x0  }
0x12: {  	s1 =	sld [smem:$0x3F9B];
	s0 =	simm.s32 @p0 $0x1  }
0x13: {  	[smem:$0x3FB6] =	sst s0;
	s0 =	simm.s32 @!p1 $0x0  }
0x14: {  	s2 =	sld [smem:$0x3F9A];
	s0 =	simm.s32 @p1 $0x1  }
0x15: {  	[smem:$0x3FB7] =	sst s0;
	s0 =	simm.s32 @!p2 $0x0  }
0x16: {  	s3 =	sld [smem:$0x3FDB];
	s0 =	simm.s32 @p2 $0x1  }
0x17: {  	s4 =	simm.s32 $0x1BF5;
	[smem:$0x3FB9] =	sst s0  }
0x18: {  	s0 =	sld [smem:$0x3F9C];
	_ =	swait.ge [sflag:s4], $0x0  }
0x19: {  	s7 =	sld [smem:$0x3F9D]  }
0x1a: {  	s8 =	sadd.s32 $0xFFFFE003, lr  }
0x1b: {  	s9 =	sadd.s32 $0xFFFFFEF7, lr;
	s5 =	simm.s32 $0xFFFFFFFF;
	p2 =	slt.u32 s8, $0xFFFFF086  }
0x1c: {  	p1 =	slt.u32 s9, $0xF7A;
	s5 =	simm.s32 @!p2 $0x0  }
0x1d: {  	s5 =	simm.s32 @p1 $0x1;
	p0 =	seq.s32 s7, s2  }
0x1e: {  	s7 =	smul.u32 @!p0 $0xF7A, s2;
	p2 =	seq.s32 @!p0 s5, $0x0  }
0x1f: {  	s9 =	smul.u32 $0xF7A, s1;
	s8 =	simm.s32 @!p0 $0x1BF5;
	p2 =	por !p2, p0  }
0x20: {  	[sflag:s8] =	ssyncset.s32 @!p0 $0xFFFFF086;
	s6 =	sadd.s32 @!p0 s3, s7;
	s7 =	simm.s32 @!p0 $0x108  }
0x21: {  	s3 =	sadd.s32 s3, s9;
	s6 =	sadd.s32 @!p0 $0x88, s6;
	s7 =	simm.s32 @p2 $0x1082  }
0x22: {  	[simem:s7], [sflag:s8] =	dma.local @!p0 [hbm:s6], $0xF7A  }
0x23: {  	s9 =	sor.u32 $0xD0000000, s2;
	s6 =	simm.s32 $0x108;
	_ =	swait.ge @!p0 [sflag:s8], $0x0  }
0x24: {  	s3 =	sadd.s32 $0x88, s3;
	s6 =	simm.s32 @!p1 $0x1082;
	[sflag:s4] =	ssyncset.s32 $0xFFFFF086  }
0x25: {  	[simem:s6], [sflag:s4] =	dma.local [hbm:s3], $0xF7A  }
0x26: {  	[smem:$0x3F9D] =	sst s1;
	(tag) =	ssettag s2;
	_ =	strace s9  }
0x27: {  	s1 =	sld [smem:$0x3FAD]  }
0x28: {  	s2 =	sld [smem:$0x3FAE]  }
0x29: {  	s4 =	sld [smem:$0x3FB0]  }
0x2a: {  	p0 =	seq.s32 s5, $0x0;
	s5 =	sld [smem:$0x3FB1]  }
0x2b: {  	s6 =	sld [smem:$0x3FB2]  }
0x2c: {  	s7 =	sld [smem:$0x3FB3]  }
0x2d: {  	s3 =	simm.s32 $0x108;
	s8 =	sld [smem:$0x3FB4]  }
0x2e: {  	s3 =	simm.s32 @!p0 $0x1082;
	s9 =	sld [smem:$0x3FB5]  }
0x2f: {  	lr =	sadd.s32 s0, s3;
	s0 =	sld [smem:$0x3FAC]  }
0x30: {  	s3 =	sld [smem:$0x3FAF]  }
0x31: {  	[smem:$0x3FB8] =	sst s10  }
0x32: {  	s10 =	sld [smem:$0x3FB6];
	_ =	sdelay $0x3  }
0x33: {  	p0 =	seq.s32 s10, $0x1;
	s10 =	sld [smem:$0x3FB8];
	_ =	sdelay $0x3  }
0x34: {  	[smem:$0x3FB8] =	sst s10  }
0x35: {  	s10 =	sld [smem:$0x3FB7];
	_ =	sdelay $0x3  }
0x36: {  	p1 =	seq.s32 s10, $0x1;
	s10 =	sld [smem:$0x3FB8];
	_ =	sdelay $0x3  }
0x37: {  	[smem:$0x3FB8] =	sst s10  }
0x38: {  	s10 =	sld [smem:$0x3FB9]  }
0x39: {  	_ = 	snop;
	(pc) =	sbr.ind lr, $3  }
0x3a: {  	_ = 	snop  }
0x3b: {  	_ = 	snop  }
0x3c: {  	p2 =	seq.s32 s10, $0x1;
	s10 =	sld [smem:$0x3FB8]  }
0x3d: {  	_ =	shalt  }
0x3e: {  	_ =	shalt  }
0x3f: {  	_ =	shalt  }
0x40: {  	_ =	shalt  }
0x41: {  	_ =	shalt  }
0x42: {  	_ =	shalt  }
0x43: {  	_ =	shalt  }
0x44: {  	_ =	shalt  }
0x45: {  	_ =	shalt  }
0x46: {  	_ =	shalt  }
0x47: {  	_ =	shalt  }
0x48: {  	_ =	shalt  }
0x49: {  	_ =	shalt  }
0x4a: {  	_ =	shalt  }
0x4b: {  	_ =	shalt  }
0x4c: {  	_ =	shalt  }
0x4d: {  	_ =	shalt  }
0x4e: {  	_ =	shalt  }
0x4f: {  	_ =	shalt  }
0x50: {  	_ =	shalt  }
0x51: {  	_ =	shalt  }
0x52: {  	_ =	shalt  }
0x53: {  	_ =	shalt  }
0x54: {  	_ =	shalt  }
0x55: {  	_ =	shalt  }
0x56: {  	_ =	shalt  }
0x57: {  	_ =	shalt  }
0x58: {  	_ =	shalt  }
0x59: {  	_ =	shalt  }
0x5a: {  	_ =	shalt  }
0x5b: {  	_ =	shalt  }
0x5c: {  	_ =	shalt  }
0x5d: {  	_ =	shalt  }
0x5e: {  	_ =	shalt  }
0x5f: {  	_ =	shalt  }
0x60: {  	_ =	shalt  }
0x61: {  	_ =	shalt  }
0x62: {  	_ =	shalt  }
0x63: {  	_ =	shalt  }
0x64: {  	_ =	shalt  }
0x65: {  	_ =	shalt  }
0x66: {  	_ =	shalt  }
0x67: {  	_ =	shalt  }
0x68: {  	_ =	shalt  }
0x69: {  	_ =	shalt  }
0x6a: {  	_ =	shalt  }
0x6b: {  	_ =	shalt  }
0x6c: {  	_ =	shalt  }
0x6d: {  	_ =	shalt  }
0x6e: {  	_ =	shalt  }
0x6f: {  	_ =	shalt  }
0x70: {  	_ =	shalt  }
0x71: {  	_ =	shalt  }
0x72: {  	_ =	shalt  }
0x73: {  	_ =	shalt  }
0x74: {  	_ =	shalt  }
0x75: {  	_ =	shalt  }
0x76: {  	_ =	shalt  }
0x77: {  	_ =	shalt  }
0x78: {  	_ =	shalt  }
0x79: {  	_ =	shalt  }
0x7a: {  	_ =	shalt  }
0x7b: {  	_ =	shalt  }
0x7c: {  	_ =	shalt  }
0x7d: {  	_ =	shalt  }
0x7e: {  	_ =	shalt  }
0x7f: {  	_ =	shalt  }
0x80: {  	_ =	shalt  }
0x81: {  	_ =	shalt  }
0x82: {  	_ =	shalt  }
0x83: {  	_ =	shalt  }
0x84: {  	_ =	shalt  }
0x85: {  	_ =	shalt  }
0x86: {  	_ =	shalt  }
0x87: {  	_ =	shalt  }
.Lfunc_end0:
.L_simem_size_0:
called_computation_lowered:
.L_overlay_start_0:
0x88: {  	s2 =	sld [smem:$0x3FD9]  }
0x89: {  	s3 =	sld [smem:$0x3FFE];
	_ =	sdelay $0x1  }
0x8a: {  	s1 =	srdreg.scid  }
0x8b: {  	s0 =	sand.u32 $0x1, s1  }
0x8c: {  	s18 =	sshll.u32 s0, $0xA;
	s2 =	sadd.s32 s3, s2  }
0x8d: {  	s2 =	sadd.s32 s2, s18  }
0x8e: {  	[smem:$0x3FC4] =	sst s2  }
0x8f: {  	_ = 	snop  }
0x90: {  	s2 =	sld [smem:$0x3FC9]  }
0x91: {  	s19 =	sld [smem:$0x3FC8]  }
0x92: {  	s4 =	sld [smem:$0x3FC7]  }
0x93: {  	s5 =	sld [smem:$0x3FC6]  }
0x94: {  	s6 =	sld [smem:$0x3FD0];
	(tm) =	ssettm $0x1  }
0x95: {  	s7 =	sld [smem:$0x3FFB];
	_ =	sdelay $0x3  }
0x96: {  	_ =	strace s7  }
0x97: {  	s7 =	sld [smem:$0x3FFC];
	_ =	sdelay $0x3  }
0x98: {  	_ =	strace s7  }
0x99: {  	s7 =	sld [smem:$0x3FFD];
	_ =	sdelay $0x3  }
0x9a: {  	_ =	strace s7  }
0x9b: {  	_ =	strace $0x8FFFFFFF  }
0x9c: {  	s20 =	sld [smem:$0x3FDB];
	_ =	sdelay $0x1  }
0x9d: {  	s8 =	simm.s32 $_scs_section_size  }
0x9e: {  	s9 =	simm.s32 $_size__tile_overlayer_lowered;
	s10 =	simm.s32 $_tile_overlayer_lowered  }
0x9f: {  	s23 =	simm.s32 $0x1BFF;
	s22 =	sshll.u32 s10, $0x1;
	s7 =	sadd.s32 s8, s20  }
0xa0: {  	s11 =	simm.s32 $0x0;
	s21 =	sshll.u32 s9, $0x1;
	s9 =	sadd.s32 s22, s7  }
0xa1: {  	[timem:s11], [sflag:s23] =	dma.local [hbm:s9], s21  }
0xa2: {  	_ =	swait.ge [sflag:s23], s21  }
0xa3: {  	s8 =	ssub.s32 $0x0, s21;
	[sflag:s23] =	ssyncset.done $0x0  }
0xa4: {  	[sflag:s23] =	ssyncadd.s32 s8;
	_ =	sdelay $0x1  }
0xa5: {  	s24 =	simm.s32 $0x1B8B  }
0xa6: {  	_ =	swait.ge [sflag:s24], $0x1  }
0xa7: {  	[sflag:s24] =	ssyncset.done $0x0  }
0xa8: {  	s25 =	simm.s32 $0x1B8E;
	[sflag:s24] =	ssyncadd.s32 $0xFFFFFFFF  }
0xa9: {  	s26 =	simm.s32 $execute0_lowered;
	[smem:$0x3FD2] =	sst s25  }
0xaa: {  	s8 =	sshll.u32 s26, $0x1;
	_ =	strace $0x80000046;
	[dreg:$0x1] =	wrdreg $0xFFFFFFFF  }
0xab: {  	s28 =	simm.s32 $_size_execute0_lowered;
	s7 =	sadd.s32 s7, s8;
	[dreg:$0x0] =	wrdreg $0x0  }
0xac: {  	s8 =	sshll.u32 s28, $0x1;
	[dreg:$0x2] =	wrdreg s7  }
0xad: {  	[dreg:$0x3] =	wrdreg s8  }
0xae: {  	[dreg:$0x4] =	wrdreg $0xC0  }
0xaf: {  	_ =	task [dreg:s11], $0x5FFFF  }
0xb0: {  	[dreg:$0x1] =	wrdreg $0xFFFFFFFF  }
0xb1: {  	[dreg:$0x0] =	wrdreg $0x60  }
0xb2: {  	[dreg:$0x2] =	wrdreg s2  }
0xb3: {  	[dreg:$0x3] =	wrdreg s19  }
0xb4: {  	[dreg:$0x4] =	wrdreg s4  }
0xb5: {  	[dreg:$0x5] =	wrdreg s5  }
0xb6: {  	[dreg:$0x6] =	wrdreg s6  }
0xb7: {  	[dreg:$0x7] =	wrdreg $0x9  }
0xb8: {  	_ =	task.clear_ibuf [dreg:s11], $0x8FFFF;
	_ =	strace $0x90000046  }
0xb9: {  	s29 =	simm.s32 $0x9;
	_ =	strace $0x80000048  }
0xba: {  	_ =	swait.ge [sflag:s29], $0x1  }
0xbb: {  	[sflag:s29] =	ssyncadd.s32 $0xFFFFFFFF  }
0xbc: {  	_ =	strace $0x90000048  }
0xbd: {  	_ =	sfence  }
0xbe: {  	s30 =	sld [smem:$0x0];
	_ =	sdelay $0x2  }
0xbf: {  	s31 =	sshll.u32 s1, $0xD;
	s1 =	sshrl.u32 s1, $0x2  }
0xc0: {  	s3 =	sand.u32 $0x4000, s31;
	s1 =	sadd.s32 s1, s30  }
0xc1: {  	s0 =	sor.u32 s3, s0;
	s1 =	sshll.u32 s1, $0x11  }
0xc2: {  	s0 =	sor.u32 s1, s0  }
0xc3: {  	s0 =	sadd.s32 $0x8F2B, s0  }
0xc4: {  	[sflag:s0] =	ssyncadd.remote.s32 $0x1  }
0xc5: {  	_ =	sfence.sel $0xFFFF  }
0xc6: {  	[dreg:$0x0] =	wrdreg $0xFFFFFFFF;
	(pc) =	sbr.abs _section_cstart, $3  }
0xc7: {  	[dreg:$0x1] =	wrdreg $0xFFFFFFFF  }
0xc8: {  	_ =	task.clear_ibuf [dreg:s11], $0x2FFFF;
	_ =	strace $0x9FFFFFFF  }
0xc9: {  	(tm) =	ssettm $0x7FFFFFFF  }
tec
execute0_lowered:
.L_overlay_start_1:
0x0: {  	(tag) =	ssettag $0x1  }
0x1: {  	s0 =	rddreg [dreg:$0x0]  }
0x2: {  	s2 =	rddreg [dreg:$0x1]  }
0x3: {  	s5 =	rddreg [dreg:$0x2]  }
0x4: {  	s6 =	rddreg [dreg:$0x3];
	s3 =	srdreg.scid  }
0x5: {  	s1 =	stileid.u32;
	s7 =	rddreg [dreg:$0x4]  }
0x6: {  	s11 =	simm.s32 $0x5000;
	s12 =	simm.s32 $0x6388;
	s13 =	simm.s32 $0x7710  }
0x7: {  	s14 =	simm.s32 $0x0;
	s8 =	sand.u32 $0x1, s3;
	s4 =	sshll.u32 s1, $0x1  }
0x8: {  	s9 =	sor.u32 s8, s4;
	s4 =	simm.s32 $0x0;
	s8 =	ssub.s32 $0x2, s8  }
0x9: {  	s9 =	smul.u32 $0x271, s9;
	[smem:$0x7FF] =	sst s4;
	s10 =	sshrl.u32 s8, $0x1  }
0xa: {  	s3 =	rddreg [dreg:$0x5];
	_ =	strace $0x80000047;
	s8 =	ssub.s32 s8, s10  }
0xb: {  	s10 =	simm.s32 $0x2800;
	s5 =	sadd.s32 s5, s9;
	s6 =	sadd.s32 s6, s9  }
0xc: {  	s7 =	sadd.s32 s7, s9;
	s8 =	smax.u32 s8, $0x1;
	s9 =	simm.s32 $0x1  }
.LBB2_1:
0xd: {  	[tilespmem:s4], [sflag:$0x1] =	stream.linear.gather [hbm4b:s0+s4], $0x2800, $0x38;
	[tilespmem:$0x8A98] =	vst v63  }
0xe: {  	_ =	swait.ge [sflag:s9], $0x2800  }
0xf: {  	[sflag:s9] =	ssyncset.done $0x0  }
0x10: {  	[sflag:s9] =	ssyncadd.s32 $0xFFFFD800  }
0x11: {  	[tilespmem:s10], [sflag:$0x1] =	stream.linear.gather [hbm4b:s2+s4], $0x2800, $0x38;
	[tilespmem:$0x8A98] =	vst v63  }
0x12: {  	_ =	swait.ge [sflag:s9], $0x2800  }
0x13: {  	[sflag:s9] =	ssyncset.done $0x0  }
0x14: {  	[sflag:s9] =	ssyncadd.s32 $0xFFFFD800  }
0x15: {  	[tilespmem:s11], [sflag:$0x1] =	stream.linear.gather [hbm4b:s5+s4], $0x1388, $0x38;
	[tilespmem:$0x8A98] =	vst v63  }
0x16: {  	_ =	swait.ge [sflag:s9], $0x1388  }
0x17: {  	[sflag:s9] =	ssyncset.done $0x0  }
0x18: {  	[sflag:s9] =	ssyncadd.s32 $0xFFFFEC78  }
0x19: {  	[tilespmem:s12], [sflag:$0x1] =	stream.linear.gather [hbm4b:s6+s4], $0x1388, $0x38;
	[tilespmem:$0x8A98] =	vst v63  }
0x1a: {  	_ =	swait.ge [sflag:s9], $0x1388  }
0x1b: {  	[sflag:s9] =	ssyncset.done $0x0  }
0x1c: {  	s15 =	simm.s32 $0x0;
	[sflag:s9] =	ssyncadd.s32 $0xFFFFEC78  }
0x1d: {  	v0 =	vld [tilespmem:s15+$0x6388]  }
0x1e: {  	v1 =	vld [tilespmem:s15+$0x5000];
	_ =	sdelay $0x6  }
0x1f: {  	v0 =	vld.idx.msk [tilespmem:v0+s10+$0x0], $0xffff  }
0x20: {  	v1 =	vld.idx.msk [tilespmem:v1+s4+$0x0], $0xffff;
	_ =	sdelay $0x4  }
0x21: {  	v0 =	vadd.f32 v0, v1;
	_ =	sdelay $0x1  }
0x22: {  	v1 =	vmul.f32 $1.000000010e-01, v0;
	_ =	sdelay $0x1  }
0x23: {  	v0 =	vmax.f32 v0, v1  }
0x24: {  	v0 =	vmul.f32 $1.442695020e+00, v0;
	_ =	sdelay $0x1  }
0x25: {  	(erf) = vpow2.f32 v0;
	_ =	sdelay $0x1  }
0x26: {  	s17 =	simm.s32 $0x10  }
0x27: {  	s16 =	simm.s32 $0x80;
	v0 =	vld [tilespmem:s17+$0x6388]  }
.LBB2_2:
0x28: {  	p0 =	sne.s32 s16, $0x4DC0;
	v1 =	vld [tilespmem:s17+$0x5000];
	_ =	sdelay $0x4  }
0x29: {  	v2 =	vpop (erf)  }
0x2a: {  	[tilespmem:s15+$0x7710] =	vst v2;
	s15 =	smov.u32 s17  }
0x2b: {  	v0 =	vld.idx.msk [tilespmem:v0+s10+$0x0], $0xffff  }
0x2c: {  	v1 =	vld.idx.msk [tilespmem:v1+s4+$0x0], $0xffff;
	_ =	sdelay $0x5  }
0x2d: {  	v0 =	vadd.f32 v0, v1;
	_ =	sdelay $0x1  }
0x2e: {  	v1 =	vmul.f32 $1.000000010e-01, v0;
	_ =	sdelay $0x1  }
0x2f: {  	v0 =	vmax.f32 v0, v1  }
0x30: {  	v0 =	vmul.f32 $1.442695020e+00, v0  }
.Ltmp0:
0x31: {  	(pc) =	sbr.rel @p0 .LBB2_2-.Ltmp0, $3  }
0x32: {  	(erf) = vpow2.f32 v0;
	_ =	sdelay $0x1  }
0x33: {  	s17 =	sshra.s32 s16, $0x2  }
0x34: {  	s16 =	sadd.s32 $0x40, s16;
	v0 =	vld [tilespmem:s17+$0x6388]  }
0x35: {  	_ = 	snop  }
0x36: {  	v1 =	vld [tilespmem:s17+$0x5000];
	_ =	sdelay $0x4  }
0x37: {  	v2 =	vpop (erf)  }
0x38: {  	[tilespmem:s15+$0x7710] =	vst v2  }
0x39: {  	v0 =	vld.idx.msk [tilespmem:v0+s10+$0x0], $0xffff  }
0x3a: {  	v1 =	vld.idx.msk [tilespmem:v1+s4+$0x0], $0xffff;
	_ =	sdelay $0x4  }
0x3b: {  	v0 =	vadd.f32 v0, v1;
	_ =	sdelay $0x1  }
0x3c: {  	v1 =	vmul.f32 $1.000000010e-01, v0;
	_ =	sdelay $0x1  }
0x3d: {  	v0 =	vmax.f32 v0, v1  }
0x3e: {  	v0 =	vmul.f32 $1.442695020e+00, v0;
	_ =	sdelay $0x1  }
0x3f: {  	(erf) = vpow2.f32 v0;
	_ =	sdelay $0x8  }
0x40: {  	v0 =	vpop (erf)  }
0x41: {  	[tilespmem:s17+$0x7710] =	vst v0  }
0x42: {  	v0 =	vld [tilespmem:$0x6378]  }
0x43: {  	v63 =	vld [tilespmem:$0x7700];
	_ =	sdelay $0x6  }
0x44: {  	v0 =	vld.idx.msk [tilespmem:v0+s4+$0x0], $0xffff  }
0x45: {  	v1 =	vld.idx.msk [tilespmem:v63+s10+$0x0], $0xffff;
	_ =	sdelay $0x4  }
0x46: {  	v0 =	vadd.f32 v1, v0;
	_ =	sdelay $0x1  }
0x47: {  	v1 =	vmul.f32 $1.000000010e-01, v0;
	_ =	sdelay $0x1  }
0x48: {  	v0 =	vmax.f32 v0, v1  }
0x49: {  	v0 =	vmul.f32 $1.442695020e+00, v0;
	_ =	sdelay $0x1  }
0x4a: {  	(erf) = vpow2.f32 v0;
	_ =	sdelay $0x7  }
0x4b: {  	s14 =	sadd.s32 $0x1, s14  }
0x4c: {  	p0 =	sne.s32 s14, s8;
	v0 =	vpop (erf)  }
.Ltmp1:
0x4d: {  	[tilespmem:$0x8A88] =	vst v0;
	(pc) =	sbr.rel @p0 .LBB2_1-.Ltmp1, $4  }
0x4e: {  	[hbm4b:s7+s4] =	stream.linear.scatter [tilespmem:s13], [sflag:$0x1], $0x1388, $0x38;
	[tilespmem:$0x8A98] =	vst v63  }
0x4f: {  	_ =	swait.ge [sflag:s9], $0x1388  }
0x50: {  	[sflag:s9] =	ssyncset.done $0x0  }
0x51: {  	[sflag:s9] =	ssyncadd.s32 $0xFFFFEC78  }
0x52: {  	_ =	sfence.sel $0x180000  }
0x53: {  	[bflag:$0x0] =	sbarrier.arrive $0xFFFF  }
0x54: {  	p0 =	sne.s32 s1, $0x0;
	_ =	strace $0x90000047  }
0x55: {  	s0 =	sadd.s32 @!p0 $0x100000, s3;
	[bflag:$0x2] =	sbarrier.arrive $0xFFFF  }
0x56: {  	[sflag:s0] =	ssyncadd.tile.s32 @!p0 $0x1;
	_ =	shalt  }
.Lfunc_end2:
_tile_overlayer_lowered:
.L_overlay_start_2:
0x57: {  	(tag) =	ssettag $0x2  }
0x58: {  	s0 =	rddreg [dreg:$0x0];
	s2 =	stileid.u32  }
0x59: {  	s1 =	rddreg [dreg:$0x1];
	p0 =	sne.s32 s2, $0x0  }
0x5a: {  	s3 =	rddreg [dreg:$0x2];
	[bflag:$0x3] =	sbarrier.arrive $0xFFFF;
	s2 =	simm.s32 @!p0 $0x1C01  }
0x5b: {  	[timem:s3], [sflag:s2] =	dma.local @!p0 [hbm:s0], s1  }
0x5c: {  	s0 =	simm.s32 @!p0 $0x1  }
0x5d: {  	_ =	swait.ge @!p0 [sflag:s0], s1  }
0x5e: {  	s1 =	ssub.s32 @!p0 $0x0, s1;
	[sflag:s0] =	ssyncset.done @!p0 $0x0  }
0x5f: {  	[sflag:s0] =	ssyncadd.s32 @!p0 s1  }
0x60: {  	[bflag:$0x3] =	sbarrier.arrive $0xFFFF  }
0x61: {  	_ =	shalt  }

</sc_bundles>
